<compile_context>
chip_gen: v7x
topology: tpu7x:2x2x1
jax: 0.10.2.dev20260603
libtpu: 0.0.44.dev20260713+nightly
codegen_flags: <defaults>
</compile_context>

<pallas_src>
import functools

import jax
import jax.numpy as jnp
from jax import lax
from jax.experimental import pallas as pl
from jax.experimental.pallas import tpu as pltpu
from jax.experimental.pallas import tpu_sc as plsc

_B, _S, _C, _K = 32, 1024, 768, 128
_NCLS = 200
_CH = 128


def _select_body(logits_ref, idx_ref, key_scr, rank_scr):
    l = logits_ref[0]
    m = jnp.max(l, axis=-1, keepdims=True)
    s = jnp.sum(jnp.exp(l - m), axis=-1)
    key_scr[:] = 1.0 / s
    key = key_scr[:]
    b = pl.program_id(0)

    def rank_chunk(ci, carry):
        kc = key_scr[pl.ds(ci * _CH, _CH)]
        ii = ci * _CH + lax.broadcasted_iota(jnp.int32, (_CH, _S), 0)
        jj = lax.broadcasted_iota(jnp.int32, (_CH, _S), 1)
        beats = (key[None, :] > kc[:, None]) | (
            (key[None, :] == kc[:, None]) & (jj < ii)
        )
        rank_scr[pl.ds(ci * _CH, _CH)] = jnp.sum(beats.astype(jnp.int32), axis=-1)
        return carry

    lax.fori_loop(0, _S // _CH, rank_chunk, 0)
    rank = rank_scr[:]
    rr = lax.broadcasted_iota(jnp.int32, (_K, _S), 0)
    hit = rank[None, :] == rr
    jglob = b * _S + lax.broadcasted_iota(jnp.int32, (_K, _S), 1)
    idx_ref[0, 0, :] = jnp.sum(jnp.where(hit, jglob, 0), axis=-1)


def _select_indices(logits):
    idx3 = pl.pallas_call(
        _select_body,
        grid=(_B,),
        in_specs=[pl.BlockSpec((1, _S, _NCLS), lambda b: (b, 0, 0))],
        out_specs=pl.BlockSpec((1, 1, _K), lambda b: (b, 0, 0)),
        out_shape=jax.ShapeDtypeStruct((_B, 1, _K), jnp.int32),
        scratch_shapes=[
            pltpu.VMEM((_S,), jnp.float32),
            pltpu.VMEM((_S,), jnp.int32),
        ],
    )(logits)
    return idx3.reshape(_B * _K)


def _make_sc_gather():
    info = plsc.get_sparse_core_info()
    nw = info.num_cores * info.num_subcores
    rows_per_w = (_B * _K) // nw
    mesh = plsc.VectorSubcoreMesh(core_axis_name="c", subcore_axis_name="s")

    @functools.partial(
        pl.kernel,
        mesh=mesh,
        out_type=jax.ShapeDtypeStruct((_B * _K, _C), jnp.float32),
        scratch_types=[
            pltpu.VMEM((rows_per_w,), jnp.int32),
            pltpu.VMEM((rows_per_w, _C), jnp.float32),
            pltpu.SemaphoreType.DMA,
        ],
    )
    def gather(table_hbm, idx_hbm, out_hbm, idx_v, rows_v, sem):
        wid = lax.axis_index("s") * info.num_cores + lax.axis_index("c")
        base = wid * rows_per_w
        pltpu.sync_copy(idx_hbm.at[pl.ds(base, rows_per_w)], idx_v)
        pltpu.async_copy(table_hbm.at[idx_v], rows_v, sem).wait()
        pltpu.sync_copy(rows_v, out_hbm.at[pl.ds(base, rows_per_w)])

    return gather


def kernel(feat, logits):
    flat_idx = _select_indices(logits)
    gathered = _make_sc_gather()(feat.reshape(_B * _S, _C), flat_idx)
    return gathered.reshape(_B, _K, _C)

# --- scband reference (transcript-rebuilt; emitter-appended) ---
"""Pipeline reference for scband-weakly-selector-10471130268210 (READ-ONLY COPY).

The authoritative reference and input builder live on the scoring server;
editing this copy changes nothing except your own understanding.
"""

import jax, jax.numpy as jnp
import numpy as np

NUM_SELECT = 128  # num_select['layer1']

def setup_inputs(seed: int = 0) -> dict:
    key = jax.random.key(seed)
    k1, k2 = jax.random.split(key)
    feat = jax.random.normal(k1, (32, 1024, 768), dtype=jnp.float32)
    logits = jax.random.normal(k2, (32, 1024, 200), dtype=jnp.float32)
    return {"feat": feat, "logits": logits}

def reference(feat, logits):
    # fpn_size is not None -> logits are provided, no internal classifier
    # probs = softmax(logits, dim=-1)
    probs = jax.nn.softmax(logits, axis=-1)
    # per-token confidence: max over classes
    max_ids = jnp.max(probs, axis=-1)            # [B, S]
    # sort descending (vectorized over batch, matching per-bi torch.sort)
    ranks = jnp.argsort(-max_ids, axis=-1)       # [B, S]
    top_idx = ranks[:, :NUM_SELECT]              # [B, k]
    drop_idx = ranks[:, NUM_SELECT:]             # [B, S-k]
    # sf = x[bi][ranks[:num_select]] stacked over batch
    selections = jnp.take_along_axis(feat, top_idx[:, :, None], axis=1)   # [B, k, C]
    # preds_1/preds_0 are also computed (stored into logits dict in torch)
    preds_1 = jnp.take_along_axis(logits, top_idx[:, :, None], axis=1)
    preds_0 = jnp.take_along_axis(logits, drop_idx[:, :, None], axis=1)
    del preds_1, preds_0  # module's return value is selections only
    return selections

if __name__ == "__main__":
    import jax
    _d = setup_inputs()
    print(jax.jit(kernel)(*tuple(_d.values())))

</pallas_src>

<mosaic_0001>
#map = affine_map<(d0, d1) -> (0, 0)>
#map1 = affine_map<(d0, d1) -> (0)>
module attributes {stable_mosaic.version = 14 : i64} {
  func.func @gather(%arg0: i32, %arg1: i32, %arg2: memref<32768x768xf32, #tpu.memory_space<hbm>>, %arg3: memref<4096xi32, #tpu.memory_space<hbm>>, %arg4: memref<4096x768xf32, #tpu.memory_space<hbm>>, %arg5: memref<128xi32, #tpu.memory_space<vmem>>, %arg6: memref<128x768xf32, #tpu.memory_space<vmem>>, %arg7: memref<!tpu.dma_semaphore, #tpu.memory_space<semaphore_mem>>) attributes {dimension_semantics = [#tpu.dimension_semantics<core_parallel>, #tpu.dimension_semantics<subcore_parallel>], iteration_bounds = array<i64: 2, 16>, scalar_prefetch = 0 : i64, scratch_operands = 3 : i64, tpu.core_type = #tpu.core_type<sc_vector_subcore>, window_params = [{transform_indices = #map}, {transform_indices = #map1}, {transform_indices = #map}]} {
    %mul3A = arith.constant 2 : i32
    %mul3A_0 = arith.muli %arg1, %mul3A : i32
    %add3A = arith.addi %mul3A_0, %arg0 : i32
    %mul3A_1 = arith.constant 128 : i32
    %mul3A_2 = arith.muli %add3A, %mul3A_1 : i32
    "tpu.region"() ({
      %run_scoped3A = tpu.sem_alloc : memref<!tpu.dma_semaphore, #tpu.memory_space<semaphore_mem>>
      %dma_start3A_7 = tpu.memref_slice %arg3[%mul3A_2] : memref<4096xi32, #tpu.memory_space<hbm>> -> memref<128xi32, #tpu.memory_space<hbm>>
      %dma_start3A_8 = tpu.memref_slice %arg3[%mul3A_2] : memref<4096xi32, #tpu.memory_space<hbm>> -> memref<128xi32, #tpu.memory_space<hbm>>
      tpu.enqueue_dma source(%dma_start3A_8 : memref<128xi32, #tpu.memory_space<hbm>>) target(%arg5 : memref<128xi32, #tpu.memory_space<vmem>>) target_semaphore(%run_scoped3A : memref<!tpu.dma_semaphore, #tpu.memory_space<semaphore_mem>>)
      %dma_wait3A_9 = tpu.memref_slice %arg3[%mul3A_2] : memref<4096xi32, #tpu.memory_space<hbm>> -> memref<128xi32, #tpu.memory_space<hbm>>
      %dma_wait3A_10 = tpu.memref_slice %arg3[%mul3A_2] : memref<4096xi32, #tpu.memory_space<hbm>> -> memref<128xi32, #tpu.memory_space<hbm>>
      tpu.wait_dma2 semaphore(%run_scoped3A : memref<!tpu.dma_semaphore, #tpu.memory_space<semaphore_mem>>) src(%dma_wait3A_10 : memref<128xi32, #tpu.memory_space<hbm>>) dst(%arg5 : memref<128xi32, #tpu.memory_space<vmem>>)
      tpu.yield
    }) : () -> ()
    %dma_start3A = arith.constant 0 : i32
    %dma_start3A_3 = arith.constant 0 : i32
    %dma_start3A_4 = tpu.memref_slice %arg2[%dma_start3A, %dma_start3A_3] : memref<32768x768xf32, #tpu.memory_space<hbm>> -> memref<32768x768xf32, #tpu.memory_space<hbm>>
    tpu.enqueue_indirect_dma source(%dma_start3A_4 : memref<32768x768xf32, #tpu.memory_space<hbm>>) target(%arg6 : memref<128x768xf32, #tpu.memory_space<vmem>>) offsets(%arg5 : memref<128xi32, #tpu.memory_space<vmem>>) semaphore(%arg7 : memref<!tpu.dma_semaphore, #tpu.memory_space<semaphore_mem>>)
    %dma_wait3A = arith.constant 0 : i32
    %dma_wait3A_5 = arith.constant 0 : i32
    %dma_wait3A_6 = tpu.memref_slice %arg2[%dma_wait3A, %dma_wait3A_5] : memref<32768x768xf32, #tpu.memory_space<hbm>> -> memref<32768x768xf32, #tpu.memory_space<hbm>>
    tpu.wait_indirect_dma semaphore(%arg7 : memref<!tpu.dma_semaphore, #tpu.memory_space<semaphore_mem>>) src(%dma_wait3A_6 : memref<32768x768xf32, #tpu.memory_space<hbm>>) dst(%arg6 : memref<128x768xf32, #tpu.memory_space<vmem>>)
    "tpu.region"() ({
      %run_scoped3A = tpu.sem_alloc : memref<!tpu.dma_semaphore, #tpu.memory_space<semaphore_mem>>
      %dma_start3A_7 = arith.constant 0 : i32
      %dma_start3A_8 = tpu.memref_slice %arg4[%mul3A_2, %dma_start3A_7] : memref<4096x768xf32, #tpu.memory_space<hbm>> -> memref<128x768xf32, #tpu.memory_space<hbm>>
      %dma_start3A_9 = arith.constant 0 : i32
      %dma_start3A_10 = tpu.memref_slice %arg4[%mul3A_2, %dma_start3A_9] : memref<4096x768xf32, #tpu.memory_space<hbm>> -> memref<128x768xf32, #tpu.memory_space<hbm>>
      tpu.enqueue_dma source(%arg6 : memref<128x768xf32, #tpu.memory_space<vmem>>) target(%dma_start3A_10 : memref<128x768xf32, #tpu.memory_space<hbm>>) target_semaphore(%run_scoped3A : memref<!tpu.dma_semaphore, #tpu.memory_space<semaphore_mem>>)
      %dma_wait3A_11 = arith.constant 0 : i32
      %dma_wait3A_12 = tpu.memref_slice %arg4[%mul3A_2, %dma_wait3A_11] : memref<4096x768xf32, #tpu.memory_space<hbm>> -> memref<128x768xf32, #tpu.memory_space<hbm>>
      %dma_wait3A_13 = arith.constant 0 : i32
      %dma_wait3A_14 = tpu.memref_slice %arg4[%mul3A_2, %dma_wait3A_13] : memref<4096x768xf32, #tpu.memory_space<hbm>> -> memref<128x768xf32, #tpu.memory_space<hbm>>
      tpu.wait_dma2 semaphore(%run_scoped3A : memref<!tpu.dma_semaphore, #tpu.memory_space<semaphore_mem>>) src(%arg6 : memref<128x768xf32, #tpu.memory_space<vmem>>) dst(%dma_wait3A_14 : memref<128x768xf32, #tpu.memory_space<hbm>>)
      tpu.yield
    }) : () -> ()
    return
  }
}

module attributes {stable_mosaic.version = 14 : i64} {
  func.func @_select_body(%arg0: i32, %arg1: memref<1x1024x200xf32, #tpu.memory_space<vmem>>, %arg2: memref<1x1x128xi32, #tpu.memory_space<vmem>>, %arg3: memref<1024xf32, #tpu.memory_space<vmem>>, %arg4: memref<1024xi32, #tpu.memory_space<vmem>>) attributes {dimension_semantics = [#tpu.dimension_semantics<arbitrary>], iteration_bounds = array<i64: 32>, scalar_prefetch = 0 : i64, scratch_operands = 2 : i64, tpu.core_type = #tpu.core_type<tc>, window_params = [{transform_indices = @transform_0, window_bounds = array<i64: 1, 1024, 200>}, {transform_indices = @transform_1, window_bounds = array<i64: 1, 1, 128>}]} {
    %get3A = arith.constant 0 : index
    %get3A_0 = arith.constant 0 : index
    %get3A_1 = arith.constant 0 : index
    %get3A_2 = vector.load %arg1[%get3A, %get3A_0, %get3A_1] : memref<1x1024x200xf32, #tpu.memory_space<vmem>>, vector<1x1024x200xf32>
    %get3A_3 = vector.shape_cast %get3A_2 : vector<1x1024x200xf32> to vector<1024x200xf32>
    %reduce_max3A = arith.constant dense<0xFF800000> : vector<1024xf32>
    %reduce_max3A_4 = vector.multi_reduction <maximumf>, %get3A_3, %reduce_max3A [1] : vector<1024x200xf32> to vector<1024xf32>
    %broadcast_in_dim3A = vector.shape_cast %reduce_max3A_4 : vector<1024xf32> to vector<1024x1xf32>
    %sub3A = vector.broadcast %broadcast_in_dim3A : vector<1024x1xf32> to vector<1024x200xf32>
    %sub3A_5 = arith.subf %get3A_3, %sub3A : vector<1024x200xf32>
    %exp3A = math.exp %sub3A_5 : vector<1024x200xf32>
    %reduce_sum3A = arith.constant dense<0.000000e+00> : vector<1024xf32>
    %reduce_sum3A_6 = vector.multi_reduction <add>, %exp3A, %reduce_sum3A [1] : vector<1024x200xf32> to vector<1024xf32>
    %div3A = arith.constant 1.000000e+00 : f32
    %div3A_7 = vector.broadcast %div3A : f32 to vector<1024xf32>
    %div3A_8 = arith.divf %div3A_7, %reduce_sum3A_6 : vector<1024xf32>
    %swap3A = arith.constant 0 : index
    %swap3A_9 = vector.load %arg3[%swap3A] : memref<1024xf32, #tpu.memory_space<vmem>>, vector<1024xf32>
    tpu.vector_store %arg3[%swap3A], %div3A_8 {strides = array<i32>} : memref<1024xf32, #tpu.memory_space<vmem>>, vector<1024xf32>,
    %get3A_10 = arith.constant 0 : index
    %get3A_11 = vector.load %arg3[%get3A_10] : memref<1024xf32, #tpu.memory_space<vmem>>, vector<1024xf32>
    %scan3A = arith.constant 0 : i32
    %scan3A_12 = arith.constant 8 : i32
    %scan3A_13 = arith.addi %scan3A, %scan3A_12 : i32
    %scan3A_14 = arith.constant 1 : i32
    scf.for %scan3A_32 = %scan3A to %scan3A_13 step %scan3A_14  : i32 {
      %mul3A_33 = arith.constant 128 : i32
      %mul3A_34 = arith.muli %scan3A_32, %mul3A_33 : i32
      %get3A_35 = arith.index_cast %mul3A_34 : i32 to index
      %get3A_36 = vector.load %arg3[%get3A_35] : memref<1024xf32, #tpu.memory_space<vmem>>, vector<128xf32>
      %mul3A_37 = arith.constant 128 : i32
      %mul3A_38 = arith.muli %scan3A_32, %mul3A_37 : i32
      %iota3A_39 = tpu.iota {dimensions = array<i32: 0>} : vector<128x1024xi32>
      %add3A_40 = vector.broadcast %mul3A_38 : i32 to vector<128x1024xi32>
      %add3A_41 = arith.addi %add3A_40, %iota3A_39 : vector<128x1024xi32>
      %iota3A_42 = tpu.iota {dimensions = array<i32: 1>} : vector<128x1024xi32>
      %broadcast_in_dim3A_43 = vector.shape_cast %get3A_11 : vector<1024xf32> to vector<1x1024xf32>
      %broadcast_in_dim3A_44 = vector.shape_cast %get3A_36 : vector<128xf32> to vector<128x1xf32>
      %gt3A = vector.broadcast %broadcast_in_dim3A_43 : vector<1x1024xf32> to vector<128x1024xf32>
      %gt3A_45 = vector.broadcast %broadcast_in_dim3A_44 : vector<128x1xf32> to vector<128x1024xf32>
      %gt3A_46 = arith.cmpf ogt, %gt3A, %gt3A_45 : vector<128x1024xf32>
      %broadcast_in_dim3A_47 = vector.shape_cast %get3A_11 : vector<1024xf32> to vector<1x1024xf32>
      %broadcast_in_dim3A_48 = vector.shape_cast %get3A_36 : vector<128xf32> to vector<128x1xf32>
      %eq3A_49 = vector.broadcast %broadcast_in_dim3A_47 : vector<1x1024xf32> to vector<128x1024xf32>
      %eq3A_50 = vector.broadcast %broadcast_in_dim3A_48 : vector<128x1xf32> to vector<128x1024xf32>
      %eq3A_51 = arith.cmpf oeq, %eq3A_49, %eq3A_50 : vector<128x1024xf32>
      %lt3A = arith.cmpi slt, %iota3A_42, %add3A_41 : vector<128x1024xi32>
      %and3A = arith.andi %eq3A_51, %lt3A : vector<128x1024xi1>
      %or3A = arith.ori %gt3A_46, %and3A : vector<128x1024xi1>
      %convert_element_type3A = arith.extui %or3A : vector<128x1024xi1> to vector<128x1024xi32>
      %reduce_sum3A_52 = arith.constant dense<0> : vector<128xi32>
      %reduce_sum3A_53 = vector.multi_reduction <add>, %convert_element_type3A, %reduce_sum3A_52 [1] : vector<128x1024xi32> to vector<128xi32>
      %mul3A_54 = arith.constant 128 : i32
      %mul3A_55 = arith.muli %scan3A_32, %mul3A_54 : i32
      %swap3A_56 = arith.index_cast %mul3A_55 : i32 to index
      %swap3A_57 = vector.load %arg4[%swap3A_56] : memref<1024xi32, #tpu.memory_space<vmem>>, vector<128xi32>
      tpu.vector_store %arg4[%swap3A_56], %reduce_sum3A_53 {strides = array<i32>} : memref<1024xi32, #tpu.memory_space<vmem>>, vector<128xi32>,
    }
    %scan3A_15 = arith.constant 8 : i32
    %get3A_16 = arith.constant 0 : index
    %get3A_17 = vector.load %arg4[%get3A_16] : memref<1024xi32, #tpu.memory_space<vmem>>, vector<1024xi32>
    %iota3A = tpu.iota {dimensions = array<i32: 0>} : vector<128x1024xi32>
    %broadcast_in_dim3A_18 = vector.shape_cast %get3A_17 : vector<1024xi32> to vector<1x1024xi32>
    %eq3A = vector.broadcast %broadcast_in_dim3A_18 : vector<1x1024xi32> to vector<128x1024xi32>
    %eq3A_19 = arith.cmpi eq, %eq3A, %iota3A : vector<128x1024xi32>
    %mul3A = arith.constant 1024 : i32
    %mul3A_20 = arith.muli %arg0, %mul3A : i32
    %iota3A_21 = tpu.iota {dimensions = array<i32: 1>} : vector<128x1024xi32>
    %add3A = vector.broadcast %mul3A_20 : i32 to vector<128x1024xi32>
    %add3A_22 = arith.addi %add3A, %iota3A_21 : vector<128x1024xi32>
    %jit3A = arith.constant 0 : i32
    %broadcast_in_dim3A_23 = vector.broadcast %jit3A : i32 to vector<128x1024xi32>
    %select_n3A = arith.select %eq3A_19, %add3A_22, %broadcast_in_dim3A_23 : vector<128x1024xi1>, vector<128x1024xi32>
    %reduce_sum3A_24 = arith.constant dense<0> : vector<128xi32>
    %reduce_sum3A_25 = vector.multi_reduction <add>, %select_n3A, %reduce_sum3A_24 [1] : vector<128x1024xi32> to vector<128xi32>
    %swap3A_26 = arith.constant 0 : index
    %swap3A_27 = arith.constant 0 : index
    %swap3A_28 = arith.constant 0 : index
    %swap3A_29 = vector.load %arg2[%swap3A_26, %swap3A_27, %swap3A_28] : memref<1x1x128xi32, #tpu.memory_space<vmem>>, vector<1x1x128xi32>
    %swap3A_30 = vector.shape_cast %swap3A_29 : vector<1x1x128xi32> to vector<128xi32>
    %swap3A_31 = vector.shape_cast %reduce_sum3A_25 : vector<128xi32> to vector<1x1x128xi32>
    tpu.vector_store %arg2[%swap3A_26, %swap3A_27, %swap3A_28], %swap3A_31 {strides = array<i32>} : memref<1x1x128xi32, #tpu.memory_space<vmem>>, vector<1x1x128xi32>,
    return
  }
  func.func @transform_0(%arg0: i32) -> (i32, i32, i32) {
    %c0_i32 = arith.constant 0 : i32
    %c0_i32_0 = arith.constant 0 : i32
    %c0_i32_1 = arith.constant 0 : i32
    return %arg0, %c0_i32, %c0_i32_0 : i32, i32, i32
  }
  func.func @transform_1(%arg0: i32) -> (i32, i32, i32) {
    %c0_i32 = arith.constant 0 : i32
    %c0_i32_0 = arith.constant 0 : i32
    %c0_i32_1 = arith.constant 0 : i32
    return %arg0, %c0_i32, %c0_i32_0 : i32, i32, i32
  }
}

</mosaic_0001>

<sc_bundles>
// kernel: kernel.4.cloned.1.call-start
scs
__scs_entry_jumppad:
0x0: {  	(pc) =	sbr.rel $0x88, $3  }
0x1: {  	(tag) =	ssettag $0x0;
	lr =	simm.s32 $0x1  }
0x2: {  	[smem:$0x3F9F] =	sst lr;
	_ =	strace $0xD0000000  }
0x3: {  	_ = 	snop  }
0x4: {  	_ = 	snop  }
0x5: {  	_ = 	snop  }
0x6: {  	_ = 	snop  }
0x7: {  	_ = 	snop  }
__scs_overlays_trampoline_lowered:
0x8: {  	[smem:$0x3FAE] =	sst s0  }
0x9: {  	[smem:$0x3FAF] =	sst s1  }
0xa: {  	[smem:$0x3FB0] =	sst s2  }
0xb: {  	[smem:$0x3FB1] =	sst s3  }
0xc: {  	[smem:$0x3FB2] =	sst s4  }
0xd: {  	[smem:$0x3FB3] =	sst s5  }
0xe: {  	[smem:$0x3FB4] =	sst s6  }
0xf: {  	[smem:$0x3FB5] =	sst s7  }
0x10: {  	[smem:$0x3FB6] =	sst s8  }
0x11: {  	[smem:$0x3FB7] =	sst s9;
	s0 =	simm.s32 @!p0 $0x0  }
0x12: {  	s1 =	sld [smem:$0x3F9D];
	s0 =	simm.s32 @p0 $0x1  }
0x13: {  	[smem:$0x3FB8] =	sst s0;
	s0 =	simm.s32 @!p1 $0x0  }
0x14: {  	s2 =	sld [smem:$0x3F9C];
	s0 =	simm.s32 @p1 $0x1  }
0x15: {  	[smem:$0x3FB9] =	sst s0;
	s0 =	simm.s32 @!p2 $0x0  }
0x16: {  	s3 =	sld [smem:$0x3FDB];
	s0 =	simm.s32 @p2 $0x1  }
0x17: {  	s4 =	simm.s32 $0x1BF5;
	[smem:$0x3FBB] =	sst s0  }
0x18: {  	s0 =	sld [smem:$0x3F9E];
	_ =	swait.ge [sflag:s4], $0x0  }
0x19: {  	s7 =	sld [smem:$0x3F9F]  }
0x1a: {  	s8 =	sadd.s32 $0xFFFFE003, lr  }
0x1b: {  	s9 =	sadd.s32 $0xFFFFFEF7, lr;
	s5 =	simm.s32 $0xFFFFFFFF;
	p2 =	slt.u32 s8, $0xFFFFF086  }
0x1c: {  	p1 =	slt.u32 s9, $0xF7A;
	s5 =	simm.s32 @!p2 $0x0  }
0x1d: {  	s5 =	simm.s32 @p1 $0x1;
	p0 =	seq.s32 s7, s2  }
0x1e: {  	s7 =	smul.u32 @!p0 $0xF7A, s2;
	p2 =	seq.s32 @!p0 s5, $0x0  }
0x1f: {  	s9 =	smul.u32 $0xF7A, s1;
	s8 =	simm.s32 @!p0 $0x1BF5;
	p2 =	por !p2, p0  }
0x20: {  	[sflag:s8] =	ssyncset.s32 @!p0 $0xFFFFF086;
	s6 =	sadd.s32 @!p0 s3, s7;
	s7 =	simm.s32 @!p0 $0x108  }
0x21: {  	s3 =	sadd.s32 s3, s9;
	s6 =	sadd.s32 @!p0 $0x88, s6;
	s7 =	simm.s32 @p2 $0x1082  }
0x22: {  	[simem:s7], [sflag:s8] =	dma.local @!p0 [hbm:s6], $0xF7A  }
0x23: {  	s9 =	sor.u32 $0xD0000000, s2;
	s6 =	simm.s32 $0x108;
	_ =	swait.ge @!p0 [sflag:s8], $0x0  }
0x24: {  	s3 =	sadd.s32 $0x88, s3;
	s6 =	simm.s32 @!p1 $0x1082;
	[sflag:s4] =	ssyncset.s32 $0xFFFFF086  }
0x25: {  	[simem:s6], [sflag:s4] =	dma.local [hbm:s3], $0xF7A  }
0x26: {  	[smem:$0x3F9F] =	sst s1;
	(tag) =	ssettag s2;
	_ =	strace s9  }
0x27: {  	s1 =	sld [smem:$0x3FAF]  }
0x28: {  	s2 =	sld [smem:$0x3FB0]  }
0x29: {  	s4 =	sld [smem:$0x3FB2]  }
0x2a: {  	p0 =	seq.s32 s5, $0x0;
	s5 =	sld [smem:$0x3FB3]  }
0x2b: {  	s6 =	sld [smem:$0x3FB4]  }
0x2c: {  	s7 =	sld [smem:$0x3FB5]  }
0x2d: {  	s3 =	simm.s32 $0x108;
	s8 =	sld [smem:$0x3FB6]  }
0x2e: {  	s3 =	simm.s32 @!p0 $0x1082;
	s9 =	sld [smem:$0x3FB7]  }
0x2f: {  	lr =	sadd.s32 s0, s3;
	s0 =	sld [smem:$0x3FAE]  }
0x30: {  	s3 =	sld [smem:$0x3FB1]  }
0x31: {  	[smem:$0x3FBA] =	sst s10  }
0x32: {  	s10 =	sld [smem:$0x3FB8];
	_ =	sdelay $0x3  }
0x33: {  	p0 =	seq.s32 s10, $0x1;
	s10 =	sld [smem:$0x3FBA];
	_ =	sdelay $0x3  }
0x34: {  	[smem:$0x3FBA] =	sst s10  }
0x35: {  	s10 =	sld [smem:$0x3FB9];
	_ =	sdelay $0x3  }
0x36: {  	p1 =	seq.s32 s10, $0x1;
	s10 =	sld [smem:$0x3FBA];
	_ =	sdelay $0x3  }
0x37: {  	[smem:$0x3FBA] =	sst s10  }
0x38: {  	s10 =	sld [smem:$0x3FBB]  }
0x39: {  	_ = 	snop;
	(pc) =	sbr.ind lr, $3  }
0x3a: {  	_ = 	snop  }
0x3b: {  	_ = 	snop  }
0x3c: {  	p2 =	seq.s32 s10, $0x1;
	s10 =	sld [smem:$0x3FBA]  }
0x3d: {  	_ =	shalt  }
0x3e: {  	_ =	shalt  }
0x3f: {  	_ =	shalt  }
0x40: {  	_ =	shalt  }
0x41: {  	_ =	shalt  }
0x42: {  	_ =	shalt  }
0x43: {  	_ =	shalt  }
0x44: {  	_ =	shalt  }
0x45: {  	_ =	shalt  }
0x46: {  	_ =	shalt  }
0x47: {  	_ =	shalt  }
0x48: {  	_ =	shalt  }
0x49: {  	_ =	shalt  }
0x4a: {  	_ =	shalt  }
0x4b: {  	_ =	shalt  }
0x4c: {  	_ =	shalt  }
0x4d: {  	_ =	shalt  }
0x4e: {  	_ =	shalt  }
0x4f: {  	_ =	shalt  }
0x50: {  	_ =	shalt  }
0x51: {  	_ =	shalt  }
0x52: {  	_ =	shalt  }
0x53: {  	_ =	shalt  }
0x54: {  	_ =	shalt  }
0x55: {  	_ =	shalt  }
0x56: {  	_ =	shalt  }
0x57: {  	_ =	shalt  }
0x58: {  	_ =	shalt  }
0x59: {  	_ =	shalt  }
0x5a: {  	_ =	shalt  }
0x5b: {  	_ =	shalt  }
0x5c: {  	_ =	shalt  }
0x5d: {  	_ =	shalt  }
0x5e: {  	_ =	shalt  }
0x5f: {  	_ =	shalt  }
0x60: {  	_ =	shalt  }
0x61: {  	_ =	shalt  }
0x62: {  	_ =	shalt  }
0x63: {  	_ =	shalt  }
0x64: {  	_ =	shalt  }
0x65: {  	_ =	shalt  }
0x66: {  	_ =	shalt  }
0x67: {  	_ =	shalt  }
0x68: {  	_ =	shalt  }
0x69: {  	_ =	shalt  }
0x6a: {  	_ =	shalt  }
0x6b: {  	_ =	shalt  }
0x6c: {  	_ =	shalt  }
0x6d: {  	_ =	shalt  }
0x6e: {  	_ =	shalt  }
0x6f: {  	_ =	shalt  }
0x70: {  	_ =	shalt  }
0x71: {  	_ =	shalt  }
0x72: {  	_ =	shalt  }
0x73: {  	_ =	shalt  }
0x74: {  	_ =	shalt  }
0x75: {  	_ =	shalt  }
0x76: {  	_ =	shalt  }
0x77: {  	_ =	shalt  }
0x78: {  	_ =	shalt  }
0x79: {  	_ =	shalt  }
0x7a: {  	_ =	shalt  }
0x7b: {  	_ =	shalt  }
0x7c: {  	_ =	shalt  }
0x7d: {  	_ =	shalt  }
0x7e: {  	_ =	shalt  }
0x7f: {  	_ =	shalt  }
0x80: {  	_ =	shalt  }
0x81: {  	_ =	shalt  }
0x82: {  	_ =	shalt  }
0x83: {  	_ =	shalt  }
0x84: {  	_ =	shalt  }
0x85: {  	_ =	shalt  }
0x86: {  	_ =	shalt  }
0x87: {  	_ =	shalt  }
.Lfunc_end0:
.L_simem_size_0:
called_computation_lowered:
.L_overlay_start_0:
0x88: {  	s2 =	sld [smem:$0x3FD9]  }
0x89: {  	s3 =	sld [smem:$0x3FFE];
	_ =	sdelay $0x1  }
0x8a: {  	s1 =	srdreg.scid  }
0x8b: {  	s0 =	sand.u32 $0x1, s1  }
0x8c: {  	s17 =	sshll.u32 s0, $0xA;
	s2 =	sadd.s32 s3, s2  }
0x8d: {  	s2 =	sadd.s32 s2, s17  }
0x8e: {  	[smem:$0x3FC6] =	sst s2  }
0x8f: {  	_ = 	snop  }
0x90: {  	s2 =	sld [smem:$0x3FC9]  }
0x91: {  	s18 =	sld [smem:$0x3FD0];
	(tm) =	ssettm $0x1  }
0x92: {  	s4 =	sld [smem:$0x3FFB];
	_ =	sdelay $0x3  }
0x93: {  	_ =	strace s4  }
0x94: {  	s4 =	sld [smem:$0x3FFC];
	_ =	sdelay $0x3  }
0x95: {  	_ =	strace s4  }
0x96: {  	s4 =	sld [smem:$0x3FFD];
	_ =	sdelay $0x3  }
0x97: {  	_ =	strace s4  }
0x98: {  	_ =	strace $0x8FFFFFFF  }
0x99: {  	s19 =	sld [smem:$0x3FDB];
	_ =	sdelay $0x1  }
0x9a: {  	s5 =	simm.s32 $_scs_section_size  }
0x9b: {  	s6 =	simm.s32 $_size__tile_overlayer_lowered;
	s7 =	simm.s32 $_tile_overlayer_lowered  }
0x9c: {  	s22 =	simm.s32 $0x1BFF;
	s21 =	sshll.u32 s7, $0x1;
	s4 =	sadd.s32 s5, s19  }
0x9d: {  	s8 =	simm.s32 $0x0;
	s20 =	sshll.u32 s6, $0x1;
	s6 =	sadd.s32 s21, s4  }
0x9e: {  	[timem:s8], [sflag:s22] =	dma.local [hbm:s6], s20  }
0x9f: {  	_ =	swait.ge [sflag:s22], s20  }
0xa0: {  	s5 =	ssub.s32 $0x0, s20;
	[sflag:s22] =	ssyncset.done $0x0  }
0xa1: {  	[sflag:s22] =	ssyncadd.s32 s5;
	_ =	sdelay $0x1  }
0xa2: {  	s23 =	simm.s32 $0x1B8B  }
0xa3: {  	_ =	swait.ge [sflag:s23], $0x1  }
0xa4: {  	[sflag:s23] =	ssyncset.done $0x0  }
0xa5: {  	s25 =	simm.s32 $0x1B8E;
	s24 =	sld [smem:$0x3FFE];
	[sflag:s23] =	ssyncadd.s32 $0xFFFFFFFF  }
0xa6: {  	s26 =	simm.s32 $execute0_lowered;
	[smem:$0x3FD2] =	sst s25  }
0xa7: {  	s6 =	sshll.u32 s26, $0x1;
	_ =	strace $0x80000046;
	[dreg:$0x1] =	wrdreg $0xFFFFFFFF  }
0xa8: {  	s28 =	simm.s32 $_size_execute0_lowered;
	s4 =	sadd.s32 s4, s6;
	[dreg:$0x0] =	wrdreg $0x0  }
0xa9: {  	s6 =	sshll.u32 s28, $0x1;
	[dreg:$0x2] =	wrdreg s4  }
0xaa: {  	[dreg:$0x3] =	wrdreg s6  }
0xab: {  	[dreg:$0x4] =	wrdreg $0xC0  }
0xac: {  	_ =	task [dreg:s8], $0x5FFFF  }
0xad: {  	[dreg:$0x1] =	wrdreg $0xFFFFFFFF  }
0xae: {  	[dreg:$0x0] =	wrdreg $0x60  }
0xaf: {  	[dreg:$0x2] =	wrdreg s2  }
0xb0: {  	[dreg:$0x3] =	wrdreg s24  }
0xb1: {  	[dreg:$0x4] =	wrdreg s18  }
0xb2: {  	[dreg:$0x5] =	wrdreg $0x9  }
0xb3: {  	_ =	task.clear_ibuf [dreg:s8], $0x6FFFF;
	_ =	strace $0x90000046  }
0xb4: {  	s29 =	simm.s32 $0x9;
	_ =	strace $0x80000048  }
0xb5: {  	_ =	swait.ge [sflag:s29], $0x1  }
0xb6: {  	[sflag:s29] =	ssyncadd.s32 $0xFFFFFFFF  }
0xb7: {  	_ =	strace $0x90000048  }
0xb8: {  	_ =	sfence  }
0xb9: {  	s30 =	sld [smem:$0x0];
	_ =	sdelay $0x2  }
0xba: {  	s31 =	sshll.u32 s1, $0xD;
	s1 =	sshrl.u32 s1, $0x2  }
0xbb: {  	s3 =	sand.u32 $0x4000, s31;
	s1 =	sadd.s32 s1, s30  }
0xbc: {  	s0 =	sor.u32 s3, s0;
	s1 =	sshll.u32 s1, $0x11  }
0xbd: {  	s0 =	sor.u32 s1, s0  }
0xbe: {  	s0 =	sadd.s32 $0x8F2B, s0  }
0xbf: {  	[sflag:s0] =	ssyncadd.remote.s32 $0x1  }
0xc0: {  	_ =	sfence.sel $0xFFFF  }
0xc1: {  	[dreg:$0x0] =	wrdreg $0xFFFFFFFF;
	(pc) =	sbr.abs _section_cstart, $3  }
0xc2: {  	[dreg:$0x1] =	wrdreg $0xFFFFFFFF  }
0xc3: {  	_ =	task.clear_ibuf [dreg:s8], $0x2FFFF;
	_ =	strace $0x9FFFFFFF  }
0xc4: {  	(tm) =	ssettm $0x7FFFFFFF  }
0xc5: {  	_ =	shalt  }
tec
execute0_lowered:
.L_overlay_start_1:
0x0: {  	(tag) =	ssettag $0x1  }
0x1: {  	s1 =	rddreg [dreg:$0x0]  }
0x2: {  	s4 =	rddreg [dreg:$0x1]  }
0x3: {  	s5 =	rddreg [dreg:$0x2];
	s3 =	simm.s32 $0x0  }
0x4: {  	s24 =	simm.s32 $0x880;
	[smem:$0x7FF] =	sst s3  }
0x5: {  	s25 =	simm.s32 $0x1080;
	_ =	strace $0x80000047;
	[dreg:$0x6] =	wrdreg s24  }
0x6: {  	s0 =	stileid.u32;
	s26 =	simm.s32 $0x1880;
	[dreg:$0x7] =	wrdreg s25  }
0x7: {  	s6 =	sshll.u32 s0, $0x5;
	s0 =	simm.s32 $0x2080;
	[dreg:$0x8] =	wrdreg s26  }
0x8: {  	s8 =	simm.s32 $0x4080;
	[dreg:$0x9] =	wrdreg s0  }
0x9: {  	s9 =	simm.s32 $0x4880;
	[dreg:$0xd] =	wrdreg s8  }
0xa: {  	s10 =	simm.s32 $0x5080;
	[dreg:$0xe] =	wrdreg s9  }
0xb: {  	s11 =	simm.s32 $0x5880;
	[dreg:$0xf] =	wrdreg s10  }
0xc: {  	s12 =	simm.s32 $0x6080;
	[dreg:$0x10] =	wrdreg s11  }
0xd: {  	s13 =	simm.s32 $0x6880;
	[dreg:$0x11] =	wrdreg s12  }
0xe: {  	s14 =	simm.s32 $0x7080;
	[dreg:$0x12] =	wrdreg s13  }
0xf: {  	s2 =	srdreg.scid;
	s15 =	simm.s32 $0x7880;
	[dreg:$0x13] =	wrdreg s14  }
0x10: {  	s16 =	simm.s32 $0x8080;
	s17 =	simm.s32 $0x8880;
	[dreg:$0x14] =	wrdreg s15  }
0x11: {  	s18 =	simm.s32 $0x9080;
	s20 =	simm.s32 $0x9880;
	[dreg:$0x15] =	wrdreg s16  }
0x12: {  	s21 =	simm.s32 $0xA080;
	s22 =	simm.s32 $0xA880;
	[dreg:$0x16] =	wrdreg s17  }
0x13: {  	s28 =	simm.s32 $0x16080;
	s29 =	simm.s32 $0x16880;
	[dreg:$0x17] =	wrdreg s18  }
0x14: {  	s30 =	simm.s32 $0x17080;
	s2 =	sand.u32 $0x1, s2;
	[dreg:$0x18] =	wrdreg s20  }
0x15: {  	s31 =	simm.s32 $0x17880;
	s7 =	sshll.u32 s2, $0x4;
	[dreg:$0x19] =	wrdreg s21  }
0x16: {  	s2 =	ssub.s32 $0x2, s2;
	[dreg:$0x1a] =	wrdreg s22;
	s24 =	simm.s32 $0xB880  }
0x17: {  	s25 =	simm.s32 $0xC080;
	s8 =	simm.s32 $0x80;
	s26 =	simm.s32 $0xC880  }
0x18: {  	s10 =	simm.s32 $0xD880;
	s11 =	simm.s32 $0xE080;
	s12 =	simm.s32 $0xE880  }
0x19: {  	s13 =	simm.s32 $0xF080;
	s14 =	simm.s32 $0xF880;
	s15 =	simm.s32 $0x10080  }
0x1a: {  	s16 =	simm.s32 $0x10880;
	s17 =	simm.s32 $0x11080;
	s18 =	simm.s32 $0x11880  }
0x1b: {  	s20 =	simm.s32 $0x12880;
	s21 =	simm.s32 $0x13080;
	[dreg:$0x1c] =	wrdreg s24  }
0x1c: {  	s22 =	simm.s32 $0x13880;
	s6 =	sor.u32 s7, s6;
	[dreg:$0x1d] =	wrdreg s25  }
0x1d: {  	s7 =	simm.s32 $0x3880;
	s19 =	sshrl.u32 s2, $0x1;
	[dreg:$0x1e] =	wrdreg s26  }
0x1e: {  	s24 =	simm.s32 $0x14880;
	s4 =	sadd.s32 s6, s4;
	s6 =	smul.u32 $0x300, s6  }
0x1f: {  	s25 =	simm.s32 $0x15080;
	[dreg:$0xc] =	wrdreg s7;
	s4 =	sadd.s32 $0x600, s4  }
0x20: {  	s26 =	simm.s32 $0x15880;
	[dreg:$0x4] =	wrdreg s4;
	s23 =	sadd.s32 s5, s6  }
0x21: {  	s2 =	ssub.s32 s2, s19;
	s5 =	simm.s32 $0x2880;
	[dreg:$0x5] =	wrdreg s23  }
0x22: {  	s7 =	simm.s32 $0x2;
	s6 =	simm.s32 $0x3080;
	[dreg:$0xa] =	wrdreg s5  }
0x23: {  	v2 =	vlaneseq.u32;
	s19 =	simm.s32 $0x12080;
	s4 =	sadd.s32 $0x100, s1;
	[dreg:$0xb] =	wrdreg s6  }
0x24: {  	vm0 =	vmmov $0xffff;
	v1 =	vshrl.u32 v2, $0x3;
	s5 =	sadd.s32 $0x200, s1;
	s23 =	simm.s32 $0xB080;
	s6 =	smax.u32 s2, $0x1  }
0x25: {  	v0 =	vand.u32 $0x7, v2;
	v2 =	vor.u32 $0x8, v2;
	v1 =	vmul.u32 $0x8, v1;
	s2 =	simm.s32 $0x1;
	[dreg:$0x1b] =	wrdreg s23;
	s23 =	simm.s32 $0x14080  }
.LBB2_1:
0x26: {  	s0 =	rddreg [dreg:$0x4]  }
0x27: {  	[tilespmem:s3], [sflag:$0x2] =	stream.linear.gather [hbm4b:s0+s3], $0x80, $0x38;
	[tilespmem:$0x18080] =	vst v63  }
0x28: {  	_ =	swait.ge [sflag:s7], $0x80  }
0x29: {  	[sflag:s7] =	ssyncset.done $0x0  }
0x2a: {  	[sflag:s7] =	ssyncadd.s32 $0xFFFFFF80  }
0x2b: {  	v3 =	vld [tilespmem:$0x0];
	_ =	sdelay $0x4  }
0x2c: {  	v4 =	vshrl.u32 v3, $0x3  }
0x2d: {  	v4 =	vmul.u32 $0x30, v4  }
0x2e: {  	v3 =	vand.u32 $0x7, v3  }
0x2f: {  	v3 =	vor.u32 v3, v4  }
0x30: {  	v4 =	vperm.xlane v3, v0;
	_ =	sdelay $0x1  }
0x31: {  	v4 =	vadd.s32 v1, v4;
	_ =	sdelay $0x3  }
0x32: {  	v3 =	vperm.xlane v3, v2  }
0x33: {  	[tilespmem:s8], [sflag:$0x1] =	stream.indirect_vreg.gather [hbm4b:s1+s3], $0x80, v4, vm0, $0xb8;
	[tilespmem:$0x18080] =	vst v63  }
0x34: {  	s0 =	rddreg [dreg:$0x6];
	v3 =	vadd.s32 v1, v3  }
0x35: {  	[tilespmem:s0], [sflag:$0x1] =	stream.indirect_vreg.gather [hbm4b:s4+s3], $0x80, v4, vm0, $0xb8;
	[tilespmem:$0x18080] =	vst v63  }
0x36: {  	s9 =	rddreg [dreg:$0x7]  }
0x37: {  	[tilespmem:s9], [sflag:$0x1] =	stream.indirect_vreg.gather [hbm4b:s5+s3], $0x80, v4, vm0, $0xb8;
	[tilespmem:$0x18080] =	vst v63  }
0x38: {  	s0 =	rddreg [dreg:$0x8]  }
0x39: {  	[tilespmem:s0], [sflag:$0x1] =	stream.indirect_vreg.gather [hbm4b:s1+s3], $0x80, v3, vm0, $0xb8;
	[tilespmem:$0x18080] =	vst v63  }
0x3a: {  	s9 =	rddreg [dreg:$0x9]  }
0x3b: {  	[tilespmem:s9], [sflag:$0x1] =	stream.indirect_vreg.gather [hbm4b:s4+s3], $0x80, v3, vm0, $0xb8;
	[tilespmem:$0x18080] =	vst v63  }
0x3c: {  	s0 =	rddreg [dreg:$0xa]  }
0x3d: {  	[tilespmem:s0], [sflag:$0x1] =	stream.indirect_vreg.gather [hbm4b:s5+s3], $0x80, v3, vm0, $0xb8;
	[tilespmem:$0x18080] =	vst v63  }
0x3e: {  	v3 =	vld [tilespmem:$0x10];
	_ =	sdelay $0x4  }
0x3f: {  	v57 =	vshrl.u32 v3, $0x3  }
0x40: {  	v4 =	vmul.u32 $0x30, v57  }
0x41: {  	v3 =	vand.u32 $0x7, v3  }
0x42: {  	v3 =	vor.u32 v3, v4  }
0x43: {  	v4 =	vperm.xlane v3, v0;
	_ =	sdelay $0x1  }
0x44: {  	v4 =	vadd.s32 v1, v4;
	_ =	sdelay $0x3  }
0x45: {  	s0 =	rddreg [dreg:$0xb];
	v3 =	vperm.xlane v3, v2  }
0x46: {  	[tilespmem:s0], [sflag:$0x1] =	stream.indirect_vreg.gather [hbm4b:s1+s3], $0x80, v4, vm0, $0xb8;
	[tilespmem:$0x18080] =	vst v63  }
0x47: {  	s9 =	rddreg [dreg:$0xc];
	v3 =	vadd.s32 v1, v3  }
0x48: {  	[tilespmem:s9], [sflag:$0x1] =	stream.indirect_vreg.gather [hbm4b:s4+s3], $0x80, v4, vm0, $0xb8;
	[tilespmem:$0x18080] =	vst v63  }
0x49: {  	s0 =	rddreg [dreg:$0xd]  }
0x4a: {  	[tilespmem:s0], [sflag:$0x1] =	stream.indirect_vreg.gather [hbm4b:s5+s3], $0x80, v4, vm0, $0xb8;
	[tilespmem:$0x18080] =	vst v63  }
0x4b: {  	s9 =	rddreg [dreg:$0xe]  }
0x4c: {  	[tilespmem:s9], [sflag:$0x1] =	stream.indirect_vreg.gather [hbm4b:s1+s3], $0x80, v3, vm0, $0xb8;
	[tilespmem:$0x18080] =	vst v63  }
0x4d: {  	s0 =	rddreg [dreg:$0xf]  }
0x4e: {  	[tilespmem:s0], [sflag:$0x1] =	stream.indirect_vreg.gather [hbm4b:s4+s3], $0x80, v3, vm0, $0xb8;
	[tilespmem:$0x18080] =	vst v63  }
0x4f: {  	s9 =	rddreg [dreg:$0x10]  }
0x50: {  	[tilespmem:s9], [sflag:$0x1] =	stream.indirect_vreg.gather [hbm4b:s5+s3], $0x80, v3, vm0, $0xb8;
	[tilespmem:$0x18080] =	vst v63  }
0x51: {  	v3 =	vld [tilespmem:$0x20];
	_ =	sdelay $0x4  }
0x52: {  	v58 =	vshrl.u32 v3, $0x3  }
0x53: {  	v4 =	vmul.u32 $0x30, v58  }
0x54: {  	v3 =	vand.u32 $0x7, v3  }
0x55: {  	v3 =	vor.u32 v3, v4  }
0x56: {  	v4 =	vperm.xlane v3, v0;
	_ =	sdelay $0x1  }
0x57: {  	v4 =	vadd.s32 v1, v4;
	_ =	sdelay $0x3  }
0x58: {  	s0 =	rddreg [dreg:$0x11];
	v3 =	vperm.xlane v3, v2  }
0x59: {  	[tilespmem:s0], [sflag:$0x1] =	stream.indirect_vreg.gather [hbm4b:s1+s3], $0x80, v4, vm0, $0xb8;
	[tilespmem:$0x18080] =	vst v63  }
0x5a: {  	s9 =	rddreg [dreg:$0x12];
	v3 =	vadd.s32 v1, v3  }
0x5b: {  	[tilespmem:s9], [sflag:$0x1] =	stream.indirect_vreg.gather [hbm4b:s4+s3], $0x80, v4, vm0, $0xb8;
	[tilespmem:$0x18080] =	vst v63  }
0x5c: {  	s0 =	rddreg [dreg:$0x13]  }
0x5d: {  	[tilespmem:s0], [sflag:$0x1] =	stream.indirect_vreg.gather [hbm4b:s5+s3], $0x80, v4, vm0, $0xb8;
	[tilespmem:$0x18080] =	vst v63  }
0x5e: {  	s9 =	rddreg [dreg:$0x14]  }
0x5f: {  	[tilespmem:s9], [sflag:$0x1] =	stream.indirect_vreg.gather [hbm4b:s1+s3], $0x80, v3, vm0, $0xb8;
	[tilespmem:$0x18080] =	vst v63  }
0x60: {  	s0 =	rddreg [dreg:$0x15]  }
0x61: {  	[tilespmem:s0], [sflag:$0x1] =	stream.indirect_vreg.gather [hbm4b:s4+s3], $0x80, v3, vm0, $0xb8;
	[tilespmem:$0x18080] =	vst v63  }
0x62: {  	s9 =	rddreg [dreg:$0x16]  }
0x63: {  	[tilespmem:s9], [sflag:$0x1] =	stream.indirect_vreg.gather [hbm4b:s5+s3], $0x80, v3, vm0, $0xb8;
	[tilespmem:$0x18080] =	vst v63  }
0x64: {  	v3 =	vld [tilespmem:$0x30];
	_ =	sdelay $0x4  }
0x65: {  	v59 =	vshrl.u32 v3, $0x3  }
0x66: {  	v4 =	vmul.u32 $0x30, v59  }
0x67: {  	v3 =	vand.u32 $0x7, v3  }
0x68: {  	v3 =	vor.u32 v3, v4  }
0x69: {  	v4 =	vperm.xlane v3, v0;
	_ =	sdelay $0x1  }
0x6a: {  	v4 =	vadd.s32 v1, v4;
	_ =	sdelay $0x3  }
0x6b: {  	s0 =	rddreg [dreg:$0x17];
	v3 =	vperm.xlane v3, v2  }
0x6c: {  	[tilespmem:s0], [sflag:$0x1] =	stream.indirect_vreg.gather [hbm4b:s1+s3], $0x80, v4, vm0, $0xb8;
	[tilespmem:$0x18080] =	vst v63  }
0x6d: {  	s9 =	rddreg [dreg:$0x18];
	v3 =	vadd.s32 v1, v3  }
0x6e: {  	[tilespmem:s9], [sflag:$0x1] =	stream.indirect_vreg.gather [hbm4b:s4+s3], $0x80, v4, vm0, $0xb8;
	[tilespmem:$0x18080] =	vst v63  }
0x6f: {  	s0 =	rddreg [dreg:$0x19]  }
0x70: {  	[tilespmem:s0], [sflag:$0x1] =	stream.indirect_vreg.gather [hbm4b:s5+s3], $0x80, v4, vm0, $0xb8;
	[tilespmem:$0x18080] =	vst v63  }
0x71: {  	s9 =	rddreg [dreg:$0x1a]  }
0x72: {  	[tilespmem:s9], [sflag:$0x1] =	stream.indirect_vreg.gather [hbm4b:s1+s3], $0x80, v3, vm0, $0xb8;
	[tilespmem:$0x18080] =	vst v63  }
0x73: {  	s0 =	rddreg [dreg:$0x1b]  }
0x74: {  	[tilespmem:s0], [sflag:$0x1] =	stream.indirect_vreg.gather [hbm4b:s4+s3], $0x80, v3, vm0, $0xb8;
	[tilespmem:$0x18080] =	vst v63  }
0x75: {  	s9 =	rddreg [dreg:$0x1c]  }
0x76: {  	[tilespmem:s9], [sflag:$0x1] =	stream.indirect_vreg.gather [hbm4b:s5+s3], $0x80, v3, vm0, $0xb8;
	[tilespmem:$0x18080] =	vst v63  }
0x77: {  	v3 =	vld [tilespmem:$0x40];
	_ =	sdelay $0x4  }
0x78: {  	v60 =	vshrl.u32 v3, $0x3  }
0x79: {  	v4 =	vmul.u32 $0x30, v60  }
0x7a: {  	v3 =	vand.u32 $0x7, v3  }
0x7b: {  	v3 =	vor.u32 v3, v4  }
0x7c: {  	v4 =	vperm.xlane v3, v0;
	_ =	sdelay $0x1  }
0x7d: {  	v4 =	vadd.s32 v1, v4;
	_ =	sdelay $0x3  }
0x7e: {  	s0 =	rddreg [dreg:$0x1d];
	v3 =	vperm.xlane v3, v2  }
0x7f: {  	[tilespmem:s0], [sflag:$0x1] =	stream.indirect_vreg.gather [hbm4b:s1+s3], $0x80, v4, vm0, $0xb8;
	[tilespmem:$0x18080] =	vst v63  }
0x80: {  	s9 =	rddreg [dreg:$0x1e];
	v3 =	vadd.s32 v1, v3  }
0x81: {  	[tilespmem:s9], [sflag:$0x1] =	stream.indirect_vreg.gather [hbm4b:s4+s3], $0x80, v4, vm0, $0xb8;
	[tilespmem:$0x18080] =	vst v63  }
0x82: {  	s9 =	simm.s32 $0xD080  }
0x83: {  	[tilespmem:s9], [sflag:$0x1] =	stream.indirect_vreg.gather [hbm4b:s5+s3], $0x80, v4, vm0, $0xb8;
	[tilespmem:$0x18080] =	vst v63  }
0x84: {  	_ = 	snop  }
0x85: {  	[tilespmem:s10], [sflag:$0x1] =	stream.indirect_vreg.gather [hbm4b:s1+s3], $0x80, v3, vm0, $0xb8;
	[tilespmem:$0x18080] =	vst v63  }
0x86: {  	_ = 	snop  }
0x87: {  	[tilespmem:s11], [sflag:$0x1] =	stream.indirect_vreg.gather [hbm4b:s4+s3], $0x80, v3, vm0, $0xb8;
	[tilespmem:$0x18080] =	vst v63  }
0x88: {  	_ = 	snop  }
0x89: {  	[tilespmem:s12], [sflag:$0x1] =	stream.indirect_vreg.gather [hbm4b:s5+s3], $0x80, v3, vm0, $0xb8;
	[tilespmem:$0x18080] =	vst v63  }
0x8a: {  	v3 =	vld [tilespmem:$0x50];
	_ =	sdelay $0x4  }
0x8b: {  	v61 =	vshrl.u32 v3, $0x3  }
0x8c: {  	v4 =	vmul.u32 $0x30, v61  }
0x8d: {  	v3 =	vand.u32 $0x7, v3  }
0x8e: {  	v3 =	vor.u32 v3, v4  }
0x8f: {  	v4 =	vperm.xlane v3, v0;
	_ =	sdelay $0x1  }
0x90: {  	v4 =	vadd.s32 v1, v4;
	_ =	sdelay $0x3  }
0x91: {  	v3 =	vperm.xlane v3, v2  }
0x92: {  	[tilespmem:s13], [sflag:$0x1] =	stream.indirect_vreg.gather [hbm4b:s1+s3], $0x80, v4, vm0, $0xb8;
	[tilespmem:$0x18080] =	vst v63  }
0x93: {  	v3 =	vadd.s32 v1, v3  }
0x94: {  	[tilespmem:s14], [sflag:$0x1] =	stream.indirect_vreg.gather [hbm4b:s4+s3], $0x80, v4, vm0, $0xb8;
	[tilespmem:$0x18080] =	vst v63  }
0x95: {  	_ = 	snop  }
0x96: {  	[tilespmem:s15], [sflag:$0x1] =	stream.indirect_vreg.gather [hbm4b:s5+s3], $0x80, v4, vm0, $0xb8;
	[tilespmem:$0x18080] =	vst v63  }
0x97: {  	_ = 	snop  }
0x98: {  	[tilespmem:s16], [sflag:$0x1] =	stream.indirect_vreg.gather [hbm4b:s1+s3], $0x80, v3, vm0, $0xb8;
	[tilespmem:$0x18080] =	vst v63  }
0x99: {  	_ = 	snop  }
0x9a: {  	[tilespmem:s17], [sflag:$0x1] =	stream.indirect_vreg.gather [hbm4b:s4+s3], $0x80, v3, vm0, $0xb8;
	[tilespmem:$0x18080] =	vst v63  }
0x9b: {  	_ = 	snop  }
0x9c: {  	[tilespmem:s18], [sflag:$0x1] =	stream.indirect_vreg.gather [hbm4b:s5+s3], $0x80, v3, vm0, $0xb8;
	[tilespmem:$0x18080] =	vst v63  }
0x9d: {  	v3 =	vld [tilespmem:$0x60];
	_ =	sdelay $0x4  }
0x9e: {  	v62 =	vshrl.u32 v3, $0x3  }
0x9f: {  	v4 =	vmul.u32 $0x30, v62  }
0xa0: {  	v3 =	vand.u32 $0x7, v3  }
0xa1: {  	v3 =	vor.u32 v3, v4  }
0xa2: {  	v4 =	vperm.xlane v3, v0;
	_ =	sdelay $0x1  }
0xa3: {  	v4 =	vadd.s32 v1, v4;
	_ =	sdelay $0x3  }
0xa4: {  	v3 =	vperm.xlane v3, v2  }
0xa5: {  	[tilespmem:s19], [sflag:$0x1] =	stream.indirect_vreg.gather [hbm4b:s1+s3], $0x80, v4, vm0, $0xb8;
	[tilespmem:$0x18080] =	vst v63  }
0xa6: {  	v3 =	vadd.s32 v1, v3  }
0xa7: {  	[tilespmem:s20], [sflag:$0x1] =	stream.indirect_vreg.gather [hbm4b:s4+s3], $0x80, v4, vm0, $0xb8;
	[tilespmem:$0x18080] =	vst v63  }
0xa8: {  	_ = 	snop  }
0xa9: {  	[tilespmem:s21], [sflag:$0x1] =	stream.indirect_vreg.gather [hbm4b:s5+s3], $0x80, v4, vm0, $0xb8;
	[tilespmem:$0x18080] =	vst v63  }
0xaa: {  	_ = 	snop  }
0xab: {  	[tilespmem:s22], [sflag:$0x1] =	stream.indirect_vreg.gather [hbm4b:s1+s3], $0x80, v3, vm0, $0xb8;
	[tilespmem:$0x18080] =	vst v63  }
0xac: {  	_ = 	snop  }
0xad: {  	[tilespmem:s23], [sflag:$0x1] =	stream.indirect_vreg.gather [hbm4b:s4+s3], $0x80, v3, vm0, $0xb8;
	[tilespmem:$0x18080] =	vst v63  }
0xae: {  	_ = 	snop  }
0xaf: {  	[tilespmem:s24], [sflag:$0x1] =	stream.indirect_vreg.gather [hbm4b:s5+s3], $0x80, v3, vm0, $0xb8;
	[tilespmem:$0x18080] =	vst v63  }
0xb0: {  	v3 =	vld [tilespmem:$0x70];
	_ =	sdelay $0x4  }
0xb1: {  	v63 =	vshrl.u32 v3, $0x3  }
0xb2: {  	v4 =	vmul.u32 $0x30, v63  }
0xb3: {  	v3 =	vand.u32 $0x7, v3  }
0xb4: {  	v3 =	vor.u32 v3, v4  }
0xb5: {  	v4 =	vperm.xlane v3, v0;
	_ =	sdelay $0x1  }
0xb6: {  	v4 =	vadd.s32 v1, v4;
	_ =	sdelay $0x3  }
0xb7: {  	v3 =	vperm.xlane v3, v2  }
0xb8: {  	[tilespmem:s25], [sflag:$0x1] =	stream.indirect_vreg.gather [hbm4b:s1+s3], $0x80, v4, vm0, $0xb8;
	[tilespmem:$0x18080] =	vst v63  }
0xb9: {  	v3 =	vadd.s32 v1, v3  }
0xba: {  	[tilespmem:s26], [sflag:$0x1] =	stream.indirect_vreg.gather [hbm4b:s4+s3], $0x80, v4, vm0, $0xb8;
	[tilespmem:$0x18080] =	vst v63  }
0xbb: {  	_ = 	snop  }
0xbc: {  	[tilespmem:s28], [sflag:$0x1] =	stream.indirect_vreg.gather [hbm4b:s5+s3], $0x80, v4, vm0, $0xb8;
	[tilespmem:$0x18080] =	vst v63  }
0xbd: {  	_ = 	snop  }
0xbe: {  	[tilespmem:s29], [sflag:$0x1] =	stream.indirect_vreg.gather [hbm4b:s1+s3], $0x80, v3, vm0, $0xb8;
	[tilespmem:$0x18080] =	vst v63  }
0xbf: {  	_ = 	snop  }
0xc0: {  	[tilespmem:s30], [sflag:$0x1] =	stream.indirect_vreg.gather [hbm4b:s4+s3], $0x80, v3, vm0, $0xb8;
	[tilespmem:$0x18080] =	vst v63  }
0xc1: {  	_ = 	snop  }
0xc2: {  	[tilespmem:s31], [sflag:$0x1] =	stream.indirect_vreg.gather [hbm4b:s5+s3], $0x80, v3, vm0, $0xb8;
	[tilespmem:$0x18080] =	vst v63  }
0xc3: {  	_ =	swait.ge [sflag:s2], $0x18000  }
0xc4: {  	p0 =	sne.s32 s6, $0x1;
	[sflag:s2] =	ssyncset.done $0x0  }
.Ltmp0:
0xc5: {  	s9 =	rddreg [dreg:$0x5];
	[sflag:s2] =	ssyncadd.s32 $0xFFFE8000;
	(pc) =	sbr.rel @p0 .LBB2_1-.Ltmp0, $4  }
0xc6: {  	[hbm4b:s9+s3] =	stream.linear.scatter [tilespmem:s8], [sflag:$0x2], $0x18000, $0x38;
	[tilespmem:$0x18080] =	vst v63  }
0xc7: {  	_ =	swait.ge [sflag:s7], $0x18000  }
0xc8: {  	[sflag:s7] =	ssyncset.done $0x0  }
0xc9: {  	s6 =	sadd.s32 $0xFFFFFFFF, s6;
	[sflag:s7] =	ssyncadd.s32 $0xFFFE8000  }
0xca: {  	_ =	sfence.sel $0x180000  }
0xcb: {  	[bflag:$0x0] =	sbarrier.arrive $0xFFFF  }
0xcc: {  	_ =	strace $0x90000047  }
0xcd: {  	s0 =	stileid.u32;
	[bflag:$0x2] =	sbarrier.arrive $0xFFFF  }
0xce: {  	p0 =	sne.s32 s0, $0x0;
	s0 =	rddreg [dreg:$0x3]  }
0xcf: {  	s0 =	sadd.s32 @!p0 $0x100000, s0  }
0xd0: {  	[sflag:s0] =	ssyncadd.tile.s32 @!p0 $0x1;
	_ =	shalt  }
.Lfunc_end2:
_tile_overlayer_lowered:
.L_overlay_start_2:
0xd1: {  	(tag) =	ssettag $0x2  }
0xd2: {  	s0 =	rddreg [dreg:$0x0];
	s2 =	stileid.u32  }
0xd3: {  	s1 =	rddreg [dreg:$0x1];
	p0 =	sne.s32 s2, $0x0  }
0xd4: {  	s3 =	rddreg [dreg:$0x2];
	[bflag:$0x3] =	sbarrier.arrive $0xFFFF;
	s2 =	simm.s32 @!p0 $0x1C02  }
0xd5: {  	[timem:s3], [sflag:s2] =	dma.local @!p0 [hbm:s0], s1  }
0xd6: {  	s0 =	simm.s32 @!p0 $0x2  }
0xd7: {  	_ =	swait.ge @!p0 [sflag:s0], s1  }
0xd8: {  	s1 =	ssub.s32 @!p0 $0x0, s1;
	[sflag:s0] =	ssyncset.done @!p0 $0x0  }
0xd9: {  	[sflag:s0] =	ssyncadd.s32 @!p0 s1  }
0xda: {  	[bflag:$0x3] =	sbarrier.arrive $0xFFFF  }
0xdb: {  	_ =	shalt  }

</sc_bundles>
